<compile_context>
chip_gen: v7x
topology: tpu7x:2x2x1
jax: 0.10.2.dev20260603
libtpu: 0.0.44.dev20260713+nightly
codegen_flags: <defaults>
</compile_context>

<pallas_src>
import functools

import jax
import jax.numpy as jnp
from jax import lax
from jax.experimental import pallas as pl
from jax.experimental.pallas import tpu as pltpu
from jax.experimental.pallas import tpu_sc as plsc

HIDDEN = 768
NUM_CORES = 2
NUM_SUBCORES = 16
NW = NUM_CORES * NUM_SUBCORES

NBUF = 2
CHUNK = 64


def _sc_gather(table, position_ids, batch, seq):
    b_per_w = (batch * seq) // NW
    n_chunks = b_per_w // CHUNK
    w_per_row = seq // b_per_w
    mesh = plsc.VectorSubcoreMesh(core_axis_name="c", subcore_axis_name="s")

    @functools.partial(
        pl.kernel,
        mesh=mesh,
        out_type=jax.ShapeDtypeStruct((batch, seq, HIDDEN), jnp.float32),
        scratch_types=[
            pltpu.VMEM((b_per_w,), jnp.int32),
            *([pltpu.VMEM((CHUNK, HIDDEN), jnp.float32)] * NBUF),
            *([pltpu.SemaphoreType.DMA] * NBUF),
            *([pltpu.SemaphoreType.DMA] * NBUF),
        ],
    )
    def k(table_hbm, idx_hbm, out_hbm, idx_v, *scratch):
        bufs = scratch[:NBUF]
        gsems = scratch[NBUF : 2 * NBUF]
        osems = scratch[2 * NBUF :]
        wid = lax.axis_index("s") * NUM_CORES + lax.axis_index("c")
        row = wid // w_per_row
        col = (wid % w_per_row) * b_per_w
        pltpu.sync_copy(idx_hbm.at[row, pl.ds(col, b_per_w)], idx_v)

        def gather(c, b):
            pltpu.async_copy(
                table_hbm.at[idx_v.at[pl.ds(c * CHUNK, CHUNK)]],
                bufs[b],
                gsems[b],
            )

        def wait_gather(c, b):
            pltpu.make_async_copy(
                table_hbm.at[idx_v.at[pl.ds(c * CHUNK, CHUNK)]],
                bufs[b],
                gsems[b],
            ).wait()

        def put(c, b):
            pltpu.async_copy(
                bufs[b],
                out_hbm.at[row, pl.ds(col + c * CHUNK, CHUNK)],
                osems[b],
            )

        def wait_put(c, b):
            pltpu.make_async_copy(
                bufs[b],
                out_hbm.at[row, pl.ds(col + c * CHUNK, CHUNK)],
                osems[b],
            ).wait()

        for b in range(NBUF):
            gather(b, b)

        def body(i, carry):
            for b in range(NBUF):
                c = NBUF * i + b
                wait_gather(c, b)
                put(c, b)
                nxt = (b + 1) % NBUF

                @pl.when((c >= NBUF - 1) & (c + 1 < n_chunks))
                def _():
                    wait_put(c - (NBUF - 1), nxt)
                    gather(c + 1, nxt)

            return carry

        lax.fori_loop(0, n_chunks // NBUF, body, 0)

        for b in range(NBUF):
            c = n_chunks - NBUF + b
            wait_put(c, b)

    return k(table, position_ids)


def kernel(position_ids, table):
    batch, seq = position_ids.shape
    return _sc_gather(table, position_ids.astype(jnp.int32), batch, seq)

# --- scband reference (transcript-rebuilt; emitter-appended) ---
"""Pipeline reference for scband-position-embedding-86603720556600 (READ-ONLY COPY).

The authoritative reference and input builder live on the scoring server;
editing this copy changes nothing except your own understanding.
"""

import jax, jax.numpy as jnp
import numpy as np

MAX_POS = 8192
HIDDEN = 768
BATCH = 4
SEQ = 8192

def setup_inputs(seed: int = 0) -> dict:
    key = jax.random.key(seed)
    k_idx, k_tab = jax.random.split(key)
    position_ids = jax.random.randint(k_idx, (BATCH, SEQ), 0, MAX_POS, dtype=jnp.int64 if jax.config.read('jax_enable_x64') else jnp.int32)
    table = jax.random.normal(k_tab, (MAX_POS, HIDDEN), dtype=jnp.float32) * 0.02
    return {"position_ids": position_ids, "table": table}

def reference(position_ids, table):
    # nn.Embedding lookup: gather rows of the position-embedding table
    return jnp.take(table, position_ids, axis=0)

if __name__ == "__main__":
    import jax
    _d = setup_inputs()
    print(jax.jit(kernel)(*tuple(_d.values())))

</pallas_src>

<mosaic_0001>
#map = affine_map<(d0, d1) -> (0, 0)>
#map1 = affine_map<(d0, d1) -> (0, 0, 0)>
module attributes {stable_mosaic.version = 14 : i64} {
  func.func @k(%arg0: i32, %arg1: i32, %arg2: memref<8192x768xf32, #tpu.memory_space<hbm>>, %arg3: memref<4x8192xi32, #tpu.memory_space<hbm>>, %arg4: memref<4x8192x768xf32, #tpu.memory_space<hbm>>, %arg5: memref<1024xi32, #tpu.memory_space<vmem>>, %arg6: memref<64x768xf32, #tpu.memory_space<vmem>>, %arg7: memref<64x768xf32, #tpu.memory_space<vmem>>, %arg8: memref<!tpu.dma_semaphore, #tpu.memory_space<semaphore_mem>>, %arg9: memref<!tpu.dma_semaphore, #tpu.memory_space<semaphore_mem>>, %arg10: memref<!tpu.dma_semaphore, #tpu.memory_space<semaphore_mem>>, %arg11: memref<!tpu.dma_semaphore, #tpu.memory_space<semaphore_mem>>) attributes {dimension_semantics = [#tpu.dimension_semantics<core_parallel>, #tpu.dimension_semantics<subcore_parallel>], iteration_bounds = array<i64: 2, 16>, scalar_prefetch = 0 : i64, scratch_operands = 7 : i64, tpu.core_type = #tpu.core_type<sc_vector_subcore>, window_params = [{transform_indices = #map}, {transform_indices = #map}, {transform_indices = #map1}]} {
    %mul3A = arith.constant 2 : i32
    %mul3A_0 = arith.muli %arg1, %mul3A : i32
    %add3A = arith.addi %mul3A_0, %arg0 : i32
    %jit3A = arith.constant 8 : i32
    %div3A = arith.divsi %add3A, %jit3A : i32
    %sign3A = arith.constant 0 : i32
    %sign3A_1 = arith.cmpi sgt, %add3A, %sign3A : i32
    %sign3A_2 = arith.extui %sign3A_1 : i1 to i32
    %sign3A_3 = arith.constant 0 : i32
    %sign3A_4 = arith.cmpi slt, %add3A, %sign3A_3 : i32
    %sign3A_5 = arith.extui %sign3A_4 : i1 to i32
    %sign3A_6 = arith.subi %sign3A_2, %sign3A_5 : i32
    %sign3A_7 = arith.constant 0 : i32
    %sign3A_8 = arith.cmpi sgt, %jit3A, %sign3A_7 : i32
    %sign3A_9 = arith.extui %sign3A_8 : i1 to i32
    %sign3A_10 = arith.constant 0 : i32
    %sign3A_11 = arith.cmpi slt, %jit3A, %sign3A_10 : i32
    %sign3A_12 = arith.extui %sign3A_11 : i1 to i32
    %sign3A_13 = arith.subi %sign3A_9, %sign3A_12 : i32
    %ne3A = arith.cmpi ne, %sign3A_6, %sign3A_13 : i32
    %rem3A = arith.remsi %add3A, %jit3A : i32
    %ne3A_14 = arith.constant 0 : i32
    %ne3A_15 = arith.cmpi ne, %rem3A, %ne3A_14 : i32
    %and3A = arith.andi %ne3A, %ne3A_15 : i1
    %sub3A = arith.constant 1 : i32
    %sub3A_16 = arith.subi %div3A, %sub3A : i32
    %select_n3A = arith.select %and3A, %sub3A_16, %div3A : i32
    %jit3A_17 = arith.constant 8 : i32
    %eq3A = arith.constant 0 : i32
    %eq3A_18 = arith.cmpi eq, %jit3A_17, %eq3A : i32
    %jit3A_19 = arith.constant 1 : i32
    %select_n3A_20 = arith.select %eq3A_18, %jit3A_19, %jit3A_17 : i32
    %rem3A_21 = arith.remsi %add3A, %select_n3A_20 : i32
    %ne3A_22 = arith.constant 0 : i32
    %ne3A_23 = arith.cmpi ne, %rem3A_21, %ne3A_22 : i32
    %lt3A = arith.constant 0 : i32
    %lt3A_24 = arith.cmpi slt, %rem3A_21, %lt3A : i32
    %lt3A_25 = arith.constant 0 : i32
    %lt3A_26 = arith.cmpi slt, %select_n3A_20, %lt3A_25 : i32
    %ne3A_27 = arith.xori %lt3A_24, %lt3A_26 : i1
    %and3A_28 = arith.andi %ne3A_27, %ne3A_23 : i1
    %add3A_29 = arith.addi %rem3A_21, %select_n3A_20 : i32
    %select_n3A_30 = arith.select %and3A_28, %add3A_29, %rem3A_21 : i32
    %mul3A_31 = arith.constant 1024 : i32
    %mul3A_32 = arith.muli %select_n3A_30, %mul3A_31 : i32
    "tpu.region"() ({
      %run_scoped3A = tpu.sem_alloc : memref<!tpu.dma_semaphore, #tpu.memory_space<semaphore_mem>>
      %dma_start3A_62 = tpu.memref_slice %arg3[%select_n3A, %mul3A_32] : memref<4x8192xi32, #tpu.memory_space<hbm>> -> memref<1x1024xi32, #tpu.memory_space<hbm>>
      %dma_start3A_63 = tpu.memref_squeeze %dma_start3A_62 : memref<1x1024xi32, #tpu.memory_space<hbm>> -> memref<1024xi32, #tpu.memory_space<hbm>>
      %dma_start3A_64 = tpu.memref_slice %arg3[%select_n3A, %mul3A_32] : memref<4x8192xi32, #tpu.memory_space<hbm>> -> memref<1x1024xi32, #tpu.memory_space<hbm>>
      %dma_start3A_65 = tpu.memref_squeeze %dma_start3A_64 : memref<1x1024xi32, #tpu.memory_space<hbm>> -> memref<1024xi32, #tpu.memory_space<hbm>>
      tpu.enqueue_dma source(%dma_start3A_65 : memref<1024xi32, #tpu.memory_space<hbm>>) target(%arg5 : memref<1024xi32, #tpu.memory_space<vmem>>) target_semaphore(%run_scoped3A : memref<!tpu.dma_semaphore, #tpu.memory_space<semaphore_mem>>)
      %dma_wait3A_66 = tpu.memref_slice %arg3[%select_n3A, %mul3A_32] : memref<4x8192xi32, #tpu.memory_space<hbm>> -> memref<1x1024xi32, #tpu.memory_space<hbm>>
      %dma_wait3A_67 = tpu.memref_squeeze %dma_wait3A_66 : memref<1x1024xi32, #tpu.memory_space<hbm>> -> memref<1024xi32, #tpu.memory_space<hbm>>
      %dma_wait3A_68 = tpu.memref_slice %arg3[%select_n3A, %mul3A_32] : memref<4x8192xi32, #tpu.memory_space<hbm>> -> memref<1x1024xi32, #tpu.memory_space<hbm>>
      %dma_wait3A_69 = tpu.memref_squeeze %dma_wait3A_68 : memref<1x1024xi32, #tpu.memory_space<hbm>> -> memref<1024xi32, #tpu.memory_space<hbm>>
      tpu.wait_dma2 semaphore(%run_scoped3A : memref<!tpu.dma_semaphore, #tpu.memory_space<semaphore_mem>>) src(%dma_wait3A_69 : memref<1024xi32, #tpu.memory_space<hbm>>) dst(%arg5 : memref<1024xi32, #tpu.memory_space<vmem>>)
      tpu.yield
    }) : () -> ()
    %dma_start3A = arith.constant 0 : i32
    %dma_start3A_33 = tpu.memref_slice %arg5[%dma_start3A] : memref<1024xi32, #tpu.memory_space<vmem>> -> memref<64xi32, #tpu.memory_space<vmem>>
    %dma_start3A_34 = arith.constant 0 : i32
    %dma_start3A_35 = arith.constant 0 : i32
    %dma_start3A_36 = tpu.memref_slice %arg2[%dma_start3A_34, %dma_start3A_35] : memref<8192x768xf32, #tpu.memory_space<hbm>> -> memref<8192x768xf32, #tpu.memory_space<hbm>>
    tpu.enqueue_indirect_dma source(%dma_start3A_36 : memref<8192x768xf32, #tpu.memory_space<hbm>>) target(%arg6 : memref<64x768xf32, #tpu.memory_space<vmem>>) offsets(%dma_start3A_33 : memref<64xi32, #tpu.memory_space<vmem>>) semaphore(%arg8 : memref<!tpu.dma_semaphore, #tpu.memory_space<semaphore_mem>>)
    %dma_start3A_37 = arith.constant 64 : i32
    %dma_start3A_38 = tpu.memref_slice %arg5[%dma_start3A_37] : memref<1024xi32, #tpu.memory_space<vmem>> -> memref<64xi32, #tpu.memory_space<vmem>>
    %dma_start3A_39 = arith.constant 0 : i32
    %dma_start3A_40 = arith.constant 0 : i32
    %dma_start3A_41 = tpu.memref_slice %arg2[%dma_start3A_39, %dma_start3A_40] : memref<8192x768xf32, #tpu.memory_space<hbm>> -> memref<8192x768xf32, #tpu.memory_space<hbm>>
    tpu.enqueue_indirect_dma source(%dma_start3A_41 : memref<8192x768xf32, #tpu.memory_space<hbm>>) target(%arg7 : memref<64x768xf32, #tpu.memory_space<vmem>>) offsets(%dma_start3A_38 : memref<64xi32, #tpu.memory_space<vmem>>) semaphore(%arg9 : memref<!tpu.dma_semaphore, #tpu.memory_space<semaphore_mem>>)
    %scan3A = arith.constant 0 : i32
    %scan3A_42 = arith.constant 0 : i32
    %scan3A_43 = arith.constant 8 : i32
    %scan3A_44 = arith.addi %scan3A_42, %scan3A_43 : i32
    %scan3A_45 = arith.constant 1 : i32
    scf.for %scan3A_62 = %scan3A_42 to %scan3A_44 step %scan3A_45  : i32 {
      %mul3A_63 = arith.constant 2 : i32
      %mul3A_64 = arith.muli %mul3A_63, %scan3A_62 : i32
      %add3A_65 = arith.constant 0 : i32
      %add3A_66 = arith.addi %mul3A_64, %add3A_65 : i32
      %mul3A_67 = arith.constant 64 : i32
      %mul3A_68 = arith.muli %add3A_66, %mul3A_67 : i32
      %dma_wait3A_69 = tpu.memref_slice %arg5[%mul3A_68] : memref<1024xi32, #tpu.memory_space<vmem>> -> memref<64xi32, #tpu.memory_space<vmem>>
      %dma_wait3A_70 = arith.constant 0 : i32
      %dma_wait3A_71 = arith.constant 0 : i32
      %dma_wait3A_72 = tpu.memref_slice %arg2[%dma_wait3A_70, %dma_wait3A_71] : memref<8192x768xf32, #tpu.memory_space<hbm>> -> memref<8192x768xf32, #tpu.memory_space<hbm>>
      tpu.wait_indirect_dma semaphore(%arg8 : memref<!tpu.dma_semaphore, #tpu.memory_space<semaphore_mem>>) src(%dma_wait3A_72 : memref<8192x768xf32, #tpu.memory_space<hbm>>) dst(%arg6 : memref<64x768xf32, #tpu.memory_space<vmem>>)
      %mul3A_73 = arith.constant 64 : i32
      %mul3A_74 = arith.muli %add3A_66, %mul3A_73 : i32
      %add3A_75 = arith.addi %mul3A_32, %mul3A_74 : i32
      %dma_start3A_76 = arith.constant 0 : i32
      %dma_start3A_77 = tpu.memref_slice %arg4[%select_n3A, %add3A_75, %dma_start3A_76] : memref<4x8192x768xf32, #tpu.memory_space<hbm>> -> memref<1x64x768xf32, #tpu.memory_space<hbm>>
      %dma_start3A_78 = tpu.memref_squeeze %dma_start3A_77 : memref<1x64x768xf32, #tpu.memory_space<hbm>> -> memref<64x768xf32, #tpu.memory_space<hbm>>
      %dma_start3A_79 = arith.constant 0 : i32
      %dma_start3A_80 = tpu.memref_slice %arg4[%select_n3A, %add3A_75, %dma_start3A_79] : memref<4x8192x768xf32, #tpu.memory_space<hbm>> -> memref<1x64x768xf32, #tpu.memory_space<hbm>>
      %dma_start3A_81 = tpu.memref_squeeze %dma_start3A_80 : memref<1x64x768xf32, #tpu.memory_space<hbm>> -> memref<64x768xf32, #tpu.memory_space<hbm>>
      tpu.enqueue_dma source(%arg6 : memref<64x768xf32, #tpu.memory_space<vmem>>) target(%dma_start3A_81 : memref<64x768xf32, #tpu.memory_space<hbm>>) target_semaphore(%arg10 : memref<!tpu.dma_semaphore, #tpu.memory_space<semaphore_mem>>)
      %ge3A = arith.constant 1 : i32
      %ge3A_82 = arith.cmpi sge, %add3A_66, %ge3A : i32
      %add3A_83 = arith.constant 1 : i32
      %add3A_84 = arith.addi %add3A_66, %add3A_83 : i32
      %lt3A_85 = arith.constant 16 : i32
      %lt3A_86 = arith.cmpi slt, %add3A_84, %lt3A_85 : i32
      %and3A_87 = arith.andi %ge3A_82, %lt3A_86 : i1
      %convert_element_type3A = arith.extui %and3A_87 : i1 to i32
      %cond3A = arith.constant 0 : i32
      %cond3A_88 = arith.cmpi ne, %convert_element_type3A, %cond3A : i32
      scf.if %cond3A_88 {
        %sub3A_118 = arith.constant 1 : i32
        %sub3A_119 = arith.subi %add3A_66, %sub3A_118 : i32
        %mul3A_120 = arith.constant 64 : i32
        %mul3A_121 = arith.muli %sub3A_119, %mul3A_120 : i32
        %add3A_122 = arith.addi %mul3A_32, %mul3A_121 : i32
        %dma_wait3A_123 = arith.constant 0 : i32
        %dma_wait3A_124 = tpu.memref_slice %arg4[%select_n3A, %add3A_122, %dma_wait3A_123] : memref<4x8192x768xf32, #tpu.memory_space<hbm>> -> memref<1x64x768xf32, #tpu.memory_space<hbm>>
        %dma_wait3A_125 = tpu.memref_squeeze %dma_wait3A_124 : memref<1x64x768xf32, #tpu.memory_space<hbm>> -> memref<64x768xf32, #tpu.memory_space<hbm>>
        %dma_wait3A_126 = arith.constant 0 : i32
        %dma_wait3A_127 = tpu.memref_slice %arg4[%select_n3A, %add3A_122, %dma_wait3A_126] : memref<4x8192x768xf32, #tpu.memory_space<hbm>> -> memref<1x64x768xf32, #tpu.memory_space<hbm>>
        %dma_wait3A_128 = tpu.memref_squeeze %dma_wait3A_127 : memref<1x64x768xf32, #tpu.memory_space<hbm>> -> memref<64x768xf32, #tpu.memory_space<hbm>>
        tpu.wait_dma2 semaphore(%arg11 : memref<!tpu.dma_semaphore, #tpu.memory_space<semaphore_mem>>) src(%arg7 : memref<64x768xf32, #tpu.memory_space<vmem>>) dst(%dma_wait3A_128 : memref<64x768xf32, #tpu.memory_space<hbm>>)
        %add3A_129 = arith.constant 1 : i32
        %add3A_130 = arith.addi %add3A_66, %add3A_129 : i32
        %mul3A_131 = arith.constant 64 : i32
        %mul3A_132 = arith.muli %add3A_130, %mul3A_131 : i32
        %dma_start3A_133 = tpu.memref_slice %arg5[%mul3A_132] : memref<1024xi32, #tpu.memory_space<vmem>> -> memref<64xi32, #tpu.memory_space<vmem>>
        %dma_start3A_134 = arith.constant 0 : i32
        %dma_start3A_135 = arith.constant 0 : i32
        %dma_start3A_136 = tpu.memref_slice %arg2[%dma_start3A_134, %dma_start3A_135] : memref<8192x768xf32, #tpu.memory_space<hbm>> -> memref<8192x768xf32, #tpu.memory_space<hbm>>
        tpu.enqueue_indirect_dma source(%dma_start3A_136 : memref<8192x768xf32, #tpu.memory_space<hbm>>) target(%arg7 : memref<64x768xf32, #tpu.memory_space<vmem>>) offsets(%dma_start3A_133 : memref<64xi32, #tpu.memory_space<vmem>>) semaphore(%arg9 : memref<!tpu.dma_semaphore, #tpu.memory_space<semaphore_mem>>)
      } else {
      }
      %mul3A_89 = arith.constant 2 : i32
      %mul3A_90 = arith.muli %mul3A_89, %scan3A_62 : i32
      %add3A_91 = arith.constant 1 : i32
      %add3A_92 = arith.addi %mul3A_90, %add3A_91 : i32
      %mul3A_93 = arith.constant 64 : i32
      %mul3A_94 = arith.muli %add3A_92, %mul3A_93 : i32
      %dma_wait3A_95 = tpu.memref_slice %arg5[%mul3A_94] : memref<1024xi32, #tpu.memory_space<vmem>> -> memref<64xi32, #tpu.memory_space<vmem>>
      %dma_wait3A_96 = arith.constant 0 : i32
      %dma_wait3A_97 = arith.constant 0 : i32
      %dma_wait3A_98 = tpu.memref_slice %arg2[%dma_wait3A_96, %dma_wait3A_97] : memref<8192x768xf32, #tpu.memory_space<hbm>> -> memref<8192x768xf32, #tpu.memory_space<hbm>>
      tpu.wait_indirect_dma semaphore(%arg9 : memref<!tpu.dma_semaphore, #tpu.memory_space<semaphore_mem>>) src(%dma_wait3A_98 : memref<8192x768xf32, #tpu.memory_space<hbm>>) dst(%arg7 : memref<64x768xf32, #tpu.memory_space<vmem>>)
      %mul3A_99 = arith.constant 64 : i32
      %mul3A_100 = arith.muli %add3A_92, %mul3A_99 : i32
      %add3A_101 = arith.addi %mul3A_32, %mul3A_100 : i32
      %dma_start3A_102 = arith.constant 0 : i32
      %dma_start3A_103 = tpu.memref_slice %arg4[%select_n3A, %add3A_101, %dma_start3A_102] : memref<4x8192x768xf32, #tpu.memory_space<hbm>> -> memref<1x64x768xf32, #tpu.memory_space<hbm>>
      %dma_start3A_104 = tpu.memref_squeeze %dma_start3A_103 : memref<1x64x768xf32, #tpu.memory_space<hbm>> -> memref<64x768xf32, #tpu.memory_space<hbm>>
      %dma_start3A_105 = arith.constant 0 : i32
      %dma_start3A_106 = tpu.memref_slice %arg4[%select_n3A, %add3A_101, %dma_start3A_105] : memref<4x8192x768xf32, #tpu.memory_space<hbm>> -> memref<1x64x768xf32, #tpu.memory_space<hbm>>
      %dma_start3A_107 = tpu.memref_squeeze %dma_start3A_106 : memref<1x64x768xf32, #tpu.memory_space<hbm>> -> memref<64x768xf32, #tpu.memory_space<hbm>>
      tpu.enqueue_dma source(%arg7 : memref<64x768xf32, #tpu.memory_space<vmem>>) target(%dma_start3A_107 : memref<64x768xf32, #tpu.memory_space<hbm>>) target_semaphore(%arg11 : memref<!tpu.dma_semaphore, #tpu.memory_space<semaphore_mem>>)
      %ge3A_108 = arith.constant 1 : i32
      %ge3A_109 = arith.cmpi sge, %add3A_92, %ge3A_108 : i32
      %add3A_110 = arith.constant 1 : i32
      %add3A_111 = arith.addi %add3A_92, %add3A_110 : i32
      %lt3A_112 = arith.constant 16 : i32
      %lt3A_113 = arith.cmpi slt, %add3A_111, %lt3A_112 : i32
      %and3A_114 = arith.andi %ge3A_109, %lt3A_113 : i1
      %convert_element_type3A_115 = arith.extui %and3A_114 : i1 to i32
      %cond3A_116 = arith.constant 0 : i32
      %cond3A_117 = arith.cmpi ne, %convert_element_type3A_115, %cond3A_116 : i32
      scf.if %cond3A_117 {
        %sub3A_118 = arith.constant 1 : i32
        %sub3A_119 = arith.subi %add3A_92, %sub3A_118 : i32
        %mul3A_120 = arith.constant 64 : i32
        %mul3A_121 = arith.muli %sub3A_119, %mul3A_120 : i32
        %add3A_122 = arith.addi %mul3A_32, %mul3A_121 : i32
        %dma_wait3A_123 = arith.constant 0 : i32
        %dma_wait3A_124 = tpu.memref_slice %arg4[%select_n3A, %add3A_122, %dma_wait3A_123] : memref<4x8192x768xf32, #tpu.memory_space<hbm>> -> memref<1x64x768xf32, #tpu.memory_space<hbm>>
        %dma_wait3A_125 = tpu.memref_squeeze %dma_wait3A_124 : memref<1x64x768xf32, #tpu.memory_space<hbm>> -> memref<64x768xf32, #tpu.memory_space<hbm>>
        %dma_wait3A_126 = arith.constant 0 : i32
        %dma_wait3A_127 = tpu.memref_slice %arg4[%select_n3A, %add3A_122, %dma_wait3A_126] : memref<4x8192x768xf32, #tpu.memory_space<hbm>> -> memref<1x64x768xf32, #tpu.memory_space<hbm>>
        %dma_wait3A_128 = tpu.memref_squeeze %dma_wait3A_127 : memref<1x64x768xf32, #tpu.memory_space<hbm>> -> memref<64x768xf32, #tpu.memory_space<hbm>>
        tpu.wait_dma2 semaphore(%arg10 : memref<!tpu.dma_semaphore, #tpu.memory_space<semaphore_mem>>) src(%arg6 : memref<64x768xf32, #tpu.memory_space<vmem>>) dst(%dma_wait3A_128 : memref<64x768xf32, #tpu.memory_space<hbm>>)
        %add3A_129 = arith.constant 1 : i32
        %add3A_130 = arith.addi %add3A_92, %add3A_129 : i32
        %mul3A_131 = arith.constant 64 : i32
        %mul3A_132 = arith.muli %add3A_130, %mul3A_131 : i32
        %dma_start3A_133 = tpu.memref_slice %arg5[%mul3A_132] : memref<1024xi32, #tpu.memory_space<vmem>> -> memref<64xi32, #tpu.memory_space<vmem>>
        %dma_start3A_134 = arith.constant 0 : i32
        %dma_start3A_135 = arith.constant 0 : i32
        %dma_start3A_136 = tpu.memref_slice %arg2[%dma_start3A_134, %dma_start3A_135] : memref<8192x768xf32, #tpu.memory_space<hbm>> -> memref<8192x768xf32, #tpu.memory_space<hbm>>
        tpu.enqueue_indirect_dma source(%dma_start3A_136 : memref<8192x768xf32, #tpu.memory_space<hbm>>) target(%arg6 : memref<64x768xf32, #tpu.memory_space<vmem>>) offsets(%dma_start3A_133 : memref<64xi32, #tpu.memory_space<vmem>>) semaphore(%arg8 : memref<!tpu.dma_semaphore, #tpu.memory_space<semaphore_mem>>)
      } else {
      }
    }
    %scan3A_46 = arith.constant 8 : i32
    %add3A_47 = arith.constant 896 : i32
    %add3A_48 = arith.addi %mul3A_32, %add3A_47 : i32
    %dma_wait3A = arith.constant 0 : i32
    %dma_wait3A_49 = tpu.memref_slice %arg4[%select_n3A, %add3A_48, %dma_wait3A] : memref<4x8192x768xf32, #tpu.memory_space<hbm>> -> memref<1x64x768xf32, #tpu.memory_space<hbm>>
    %dma_wait3A_50 = tpu.memref_squeeze %dma_wait3A_49 : memref<1x64x768xf32, #tpu.memory_space<hbm>> -> memref<64x768xf32, #tpu.memory_space<hbm>>
    %dma_wait3A_51 = arith.constant 0 : i32
    %dma_wait3A_52 = tpu.memref_slice %arg4[%select_n3A, %add3A_48, %dma_wait3A_51] : memref<4x8192x768xf32, #tpu.memory_space<hbm>> -> memref<1x64x768xf32, #tpu.memory_space<hbm>>
    %dma_wait3A_53 = tpu.memref_squeeze %dma_wait3A_52 : memref<1x64x768xf32, #tpu.memory_space<hbm>> -> memref<64x768xf32, #tpu.memory_space<hbm>>
    tpu.wait_dma2 semaphore(%arg10 : memref<!tpu.dma_semaphore, #tpu.memory_space<semaphore_mem>>) src(%arg6 : memref<64x768xf32, #tpu.memory_space<vmem>>) dst(%dma_wait3A_53 : memref<64x768xf32, #tpu.memory_space<hbm>>)
    %add3A_54 = arith.constant 960 : i32
    %add3A_55 = arith.addi %mul3A_32, %add3A_54 : i32
    %dma_wait3A_56 = arith.constant 0 : i32
    %dma_wait3A_57 = tpu.memref_slice %arg4[%select_n3A, %add3A_55, %dma_wait3A_56] : memref<4x8192x768xf32, #tpu.memory_space<hbm>> -> memref<1x64x768xf32, #tpu.memory_space<hbm>>
    %dma_wait3A_58 = tpu.memref_squeeze %dma_wait3A_57 : memref<1x64x768xf32, #tpu.memory_space<hbm>> -> memref<64x768xf32, #tpu.memory_space<hbm>>
    %dma_wait3A_59 = arith.constant 0 : i32
    %dma_wait3A_60 = tpu.memref_slice %arg4[%select_n3A, %add3A_55, %dma_wait3A_59] : memref<4x8192x768xf32, #tpu.memory_space<hbm>> -> memref<1x64x768xf32, #tpu.memory_space<hbm>>
    %dma_wait3A_61 = tpu.memref_squeeze %dma_wait3A_60 : memref<1x64x768xf32, #tpu.memory_space<hbm>> -> memref<64x768xf32, #tpu.memory_space<hbm>>
    tpu.wait_dma2 semaphore(%arg11 : memref<!tpu.dma_semaphore, #tpu.memory_space<semaphore_mem>>) src(%arg7 : memref<64x768xf32, #tpu.memory_space<vmem>>) dst(%dma_wait3A_61 : memref<64x768xf32, #tpu.memory_space<hbm>>)
    return
  }
}

</mosaic_0001>

<sc_bundles>
// kernel: kernel.3.cloned.1.call-start
scs
__scs_entry_jumppad:
0x0: {  	(pc) =	sbr.rel $0x88, $3  }
0x1: {  	(tag) =	ssettag $0x0;
	lr =	simm.s32 $0x1  }
0x2: {  	[smem:$0x3F9F] =	sst lr;
	_ =	strace $0xD0000000  }
0x3: {  	_ = 	snop  }
0x4: {  	_ = 	snop  }
0x5: {  	_ = 	snop  }
0x6: {  	_ = 	snop  }
0x7: {  	_ = 	snop  }
__scs_overlays_trampoline_lowered:
0x8: {  	[smem:$0x3FAE] =	sst s0  }
0x9: {  	[smem:$0x3FAF] =	sst s1  }
0xa: {  	[smem:$0x3FB0] =	sst s2  }
0xb: {  	[smem:$0x3FB1] =	sst s3  }
0xc: {  	[smem:$0x3FB2] =	sst s4  }
0xd: {  	[smem:$0x3FB3] =	sst s5  }
0xe: {  	[smem:$0x3FB4] =	sst s6  }
0xf: {  	[smem:$0x3FB5] =	sst s7  }
0x10: {  	[smem:$0x3FB6] =	sst s8  }
0x11: {  	[smem:$0x3FB7] =	sst s9;
	s0 =	simm.s32 @!p0 $0x0  }
0x12: {  	s1 =	sld [smem:$0x3F9D];
	s0 =	simm.s32 @p0 $0x1  }
0x13: {  	[smem:$0x3FB8] =	sst s0;
	s0 =	simm.s32 @!p1 $0x0  }
0x14: {  	s2 =	sld [smem:$0x3F9C];
	s0 =	simm.s32 @p1 $0x1  }
0x15: {  	[smem:$0x3FB9] =	sst s0;
	s0 =	simm.s32 @!p2 $0x0  }
0x16: {  	s3 =	sld [smem:$0x3FDB];
	s0 =	simm.s32 @p2 $0x1  }
0x17: {  	s4 =	simm.s32 $0x1BF5;
	[smem:$0x3FBB] =	sst s0  }
0x18: {  	s0 =	sld [smem:$0x3F9E];
	_ =	swait.ge [sflag:s4], $0x0  }
0x19: {  	s7 =	sld [smem:$0x3F9F]  }
0x1a: {  	s8 =	sadd.s32 $0xFFFFE003, lr  }
0x1b: {  	s9 =	sadd.s32 $0xFFFFFEF7, lr;
	s5 =	simm.s32 $0xFFFFFFFF;
	p2 =	slt.u32 s8, $0xFFFFF086  }
0x1c: {  	p1 =	slt.u32 s9, $0xF7A;
	s5 =	simm.s32 @!p2 $0x0  }
0x1d: {  	s5 =	simm.s32 @p1 $0x1;
	p0 =	seq.s32 s7, s2  }
0x1e: {  	s7 =	smul.u32 @!p0 $0xF7A, s2;
	p2 =	seq.s32 @!p0 s5, $0x0  }
0x1f: {  	s9 =	smul.u32 $0xF7A, s1;
	s8 =	simm.s32 @!p0 $0x1BF5;
	p2 =	por !p2, p0  }
0x20: {  	[sflag:s8] =	ssyncset.s32 @!p0 $0xFFFFF086;
	s6 =	sadd.s32 @!p0 s3, s7;
	s7 =	simm.s32 @!p0 $0x108  }
0x21: {  	s3 =	sadd.s32 s3, s9;
	s6 =	sadd.s32 @!p0 $0x88, s6;
	s7 =	simm.s32 @p2 $0x1082  }
0x22: {  	[simem:s7], [sflag:s8] =	dma.local @!p0 [hbm:s6], $0xF7A  }
0x23: {  	s9 =	sor.u32 $0xD0000000, s2;
	s6 =	simm.s32 $0x108;
	_ =	swait.ge @!p0 [sflag:s8], $0x0  }
0x24: {  	s3 =	sadd.s32 $0x88, s3;
	s6 =	simm.s32 @!p1 $0x1082;
	[sflag:s4] =	ssyncset.s32 $0xFFFFF086  }
0x25: {  	[simem:s6], [sflag:s4] =	dma.local [hbm:s3], $0xF7A  }
0x26: {  	[smem:$0x3F9F] =	sst s1;
	(tag) =	ssettag s2;
	_ =	strace s9  }
0x27: {  	s1 =	sld [smem:$0x3FAF]  }
0x28: {  	s2 =	sld [smem:$0x3FB0]  }
0x29: {  	s4 =	sld [smem:$0x3FB2]  }
0x2a: {  	p0 =	seq.s32 s5, $0x0;
	s5 =	sld [smem:$0x3FB3]  }
0x2b: {  	s6 =	sld [smem:$0x3FB4]  }
0x2c: {  	s7 =	sld [smem:$0x3FB5]  }
0x2d: {  	s3 =	simm.s32 $0x108;
	s8 =	sld [smem:$0x3FB6]  }
0x2e: {  	s3 =	simm.s32 @!p0 $0x1082;
	s9 =	sld [smem:$0x3FB7]  }
0x2f: {  	lr =	sadd.s32 s0, s3;
	s0 =	sld [smem:$0x3FAE]  }
0x30: {  	s3 =	sld [smem:$0x3FB1]  }
0x31: {  	[smem:$0x3FBA] =	sst s10  }
0x32: {  	s10 =	sld [smem:$0x3FB8];
	_ =	sdelay $0x3  }
0x33: {  	p0 =	seq.s32 s10, $0x1;
	s10 =	sld [smem:$0x3FBA];
	_ =	sdelay $0x3  }
0x34: {  	[smem:$0x3FBA] =	sst s10  }
0x35: {  	s10 =	sld [smem:$0x3FB9];
	_ =	sdelay $0x3  }
0x36: {  	p1 =	seq.s32 s10, $0x1;
	s10 =	sld [smem:$0x3FBA];
	_ =	sdelay $0x3  }
0x37: {  	[smem:$0x3FBA] =	sst s10  }
0x38: {  	s10 =	sld [smem:$0x3FBB]  }
0x39: {  	_ = 	snop;
	(pc) =	sbr.ind lr, $3  }
0x3a: {  	_ = 	snop  }
0x3b: {  	_ = 	snop  }
0x3c: {  	p2 =	seq.s32 s10, $0x1;
	s10 =	sld [smem:$0x3FBA]  }
0x3d: {  	_ =	shalt  }
0x3e: {  	_ =	shalt  }
0x3f: {  	_ =	shalt  }
0x40: {  	_ =	shalt  }
0x41: {  	_ =	shalt  }
0x42: {  	_ =	shalt  }
0x43: {  	_ =	shalt  }
0x44: {  	_ =	shalt  }
0x45: {  	_ =	shalt  }
0x46: {  	_ =	shalt  }
0x47: {  	_ =	shalt  }
0x48: {  	_ =	shalt  }
0x49: {  	_ =	shalt  }
0x4a: {  	_ =	shalt  }
0x4b: {  	_ =	shalt  }
0x4c: {  	_ =	shalt  }
0x4d: {  	_ =	shalt  }
0x4e: {  	_ =	shalt  }
0x4f: {  	_ =	shalt  }
0x50: {  	_ =	shalt  }
0x51: {  	_ =	shalt  }
0x52: {  	_ =	shalt  }
0x53: {  	_ =	shalt  }
0x54: {  	_ =	shalt  }
0x55: {  	_ =	shalt  }
0x56: {  	_ =	shalt  }
0x57: {  	_ =	shalt  }
0x58: {  	_ =	shalt  }
0x59: {  	_ =	shalt  }
0x5a: {  	_ =	shalt  }
0x5b: {  	_ =	shalt  }
0x5c: {  	_ =	shalt  }
0x5d: {  	_ =	shalt  }
0x5e: {  	_ =	shalt  }
0x5f: {  	_ =	shalt  }
0x60: {  	_ =	shalt  }
0x61: {  	_ =	shalt  }
0x62: {  	_ =	shalt  }
0x63: {  	_ =	shalt  }
0x64: {  	_ =	shalt  }
0x65: {  	_ =	shalt  }
0x66: {  	_ =	shalt  }
0x67: {  	_ =	shalt  }
0x68: {  	_ =	shalt  }
0x69: {  	_ =	shalt  }
0x6a: {  	_ =	shalt  }
0x6b: {  	_ =	shalt  }
0x6c: {  	_ =	shalt  }
0x6d: {  	_ =	shalt  }
0x6e: {  	_ =	shalt  }
0x6f: {  	_ =	shalt  }
0x70: {  	_ =	shalt  }
0x71: {  	_ =	shalt  }
0x72: {  	_ =	shalt  }
0x73: {  	_ =	shalt  }
0x74: {  	_ =	shalt  }
0x75: {  	_ =	shalt  }
0x76: {  	_ =	shalt  }
0x77: {  	_ =	shalt  }
0x78: {  	_ =	shalt  }
0x79: {  	_ =	shalt  }
0x7a: {  	_ =	shalt  }
0x7b: {  	_ =	shalt  }
0x7c: {  	_ =	shalt  }
0x7d: {  	_ =	shalt  }
0x7e: {  	_ =	shalt  }
0x7f: {  	_ =	shalt  }
0x80: {  	_ =	shalt  }
0x81: {  	_ =	shalt  }
0x82: {  	_ =	shalt  }
0x83: {  	_ =	shalt  }
0x84: {  	_ =	shalt  }
0x85: {  	_ =	shalt  }
0x86: {  	_ =	shalt  }
0x87: {  	_ =	shalt  }
.Lfunc_end0:
.L_simem_size_0:
called_computation_lowered:
.L_overlay_start_0:
0x88: {  	s2 =	sld [smem:$0x3FD9]  }
0x89: {  	s3 =	sld [smem:$0x3FFE];
	_ =	sdelay $0x1  }
0x8a: {  	s1 =	srdreg.scid  }
0x8b: {  	s0 =	sand.u32 $0x1, s1  }
0x8c: {  	s18 =	sshll.u32 s0, $0xA;
	s2 =	sadd.s32 s3, s2  }
0x8d: {  	s2 =	sadd.s32 s2, s18  }
0x8e: {  	[smem:$0x3FC6] =	sst s2  }
0x8f: {  	_ = 	snop  }
0x90: {  	s2 =	sld [smem:$0x3FC9]  }
0x91: {  	s19 =	sld [smem:$0x3FC8]  }
0x92: {  	s4 =	sld [smem:$0x3FD0];
	(tm) =	ssettm $0x1  }
0x93: {  	s5 =	sld [smem:$0x3FFB];
	_ =	sdelay $0x3  }
0x94: {  	_ =	strace s5  }
0x95: {  	s5 =	sld [smem:$0x3FFC];
	_ =	sdelay $0x3  }
0x96: {  	_ =	strace s5  }
0x97: {  	s5 =	sld [smem:$0x3FFD];
	_ =	sdelay $0x3  }
0x98: {  	_ =	strace s5  }
0x99: {  	_ =	strace $0x8FFFFFFF  }
0x9a: {  	s20 =	sld [smem:$0x3FDB];
	_ =	sdelay $0x1  }
0x9b: {  	s6 =	simm.s32 $_scs_section_size  }
0x9c: {  	s7 =	simm.s32 $_size__tile_overlayer_lowered;
	s8 =	simm.s32 $_tile_overlayer_lowered  }
0x9d: {  	s23 =	simm.s32 $0x1BFF;
	s22 =	sshll.u32 s8, $0x1;
	s5 =	sadd.s32 s6, s20  }
0x9e: {  	s9 =	simm.s32 $0x0;
	s21 =	sshll.u32 s7, $0x1;
	s7 =	sadd.s32 s22, s5  }
0x9f: {  	[timem:s9], [sflag:s23] =	dma.local [hbm:s7], s21  }
0xa0: {  	_ =	swait.ge [sflag:s23], s21  }
0xa1: {  	s6 =	ssub.s32 $0x0, s21;
	[sflag:s23] =	ssyncset.done $0x0  }
0xa2: {  	[sflag:s23] =	ssyncadd.s32 s6;
	_ =	sdelay $0x1  }
0xa3: {  	s24 =	simm.s32 $0x1B8B  }
0xa4: {  	_ =	swait.ge [sflag:s24], $0x1  }
0xa5: {  	[sflag:s24] =	ssyncset.done $0x0  }
0xa6: {  	s25 =	simm.s32 $0x1B8E;
	[sflag:s24] =	ssyncadd.s32 $0xFFFFFFFF  }
0xa7: {  	s26 =	simm.s32 $execute0_lowered;
	[smem:$0x3FD2] =	sst s25  }
0xa8: {  	s6 =	sshll.u32 s26, $0x1;
	_ =	strace $0x80000046;
	[dreg:$0x1] =	wrdreg $0xFFFFFFFF  }
0xa9: {  	s28 =	simm.s32 $_size_execute0_lowered;
	s5 =	sadd.s32 s5, s6;
	[dreg:$0x0] =	wrdreg $0x0  }
0xaa: {  	s6 =	sshll.u32 s28, $0x1;
	[dreg:$0x2] =	wrdreg s5  }
0xab: {  	[dreg:$0x3] =	wrdreg s6  }
0xac: {  	[dreg:$0x4] =	wrdreg $0xC0  }
0xad: {  	_ =	task [dreg:s9], $0x5FFFF  }
0xae: {  	[dreg:$0x1] =	wrdreg $0xFFFFFFFF  }
0xaf: {  	[dreg:$0x0] =	wrdreg $0x60  }
0xb0: {  	[dreg:$0x2] =	wrdreg s19  }
0xb1: {  	[dreg:$0x3] =	wrdreg s2  }
0xb2: {  	[dreg:$0x4] =	wrdreg s4  }
0xb3: {  	[dreg:$0x5] =	wrdreg $0x9  }
0xb4: {  	_ =	task.clear_ibuf [dreg:s9], $0x6FFFF;
	_ =	strace $0x90000046  }
0xb5: {  	s29 =	simm.s32 $0x9;
	_ =	strace $0x80000048  }
0xb6: {  	_ =	swait.ge [sflag:s29], $0x1  }
0xb7: {  	[sflag:s29] =	ssyncadd.s32 $0xFFFFFFFF  }
0xb8: {  	_ =	strace $0x90000048  }
0xb9: {  	_ =	sfence  }
0xba: {  	s30 =	sld [smem:$0x0];
	_ =	sdelay $0x2  }
0xbb: {  	s31 =	sshll.u32 s1, $0xD;
	s1 =	sshrl.u32 s1, $0x2  }
0xbc: {  	s3 =	sand.u32 $0x4000, s31;
	s1 =	sadd.s32 s1, s30  }
0xbd: {  	s0 =	sor.u32 s3, s0;
	s1 =	sshll.u32 s1, $0x11  }
0xbe: {  	s0 =	sor.u32 s1, s0  }
0xbf: {  	s0 =	sadd.s32 $0x8F2B, s0  }
0xc0: {  	[sflag:s0] =	ssyncadd.remote.s32 $0x1  }
0xc1: {  	_ =	sfence.sel $0xFFFF  }
0xc2: {  	[dreg:$0x0] =	wrdreg $0xFFFFFFFF;
	(pc) =	sbr.abs _section_cstart, $3  }
0xc3: {  	[dreg:$0x1] =	wrdreg $0xFFFFFFFF  }
0xc4: {  	_ =	task.clear_ibuf [dreg:s9], $0x2FFFF;
	_ =	strace $0x9FFFFFFF  }
0xc5: {  	(tm) =	ssettm $0x7FFFFFFF  }
tec
execute0_lowered:
.L_overlay_start_1:
0x0: {  	(tag) =	ssettag $0x1  }
0x1: {  	s1 =	rddreg [dreg:$0x0]  }
0x2: {  	s0 =	rddreg [dreg:$0x1]  }
0x3: {  	s2 =	rddreg [dreg:$0x2];
	s3 =	simm.s32 $0x0;
	s4 =	srdreg.scid  }
0x4: {  	s9 =	stileid.u32;
	s13 =	simm.s32 $0x400;
	s28 =	simm.s32 $0x7400  }
0x5: {  	s29 =	simm.s32 $0x7C00;
	s30 =	simm.s32 $0x8400;
	s31 =	simm.s32 $0x8C00  }
0x6: {  	s11 =	simm.s32 $0xAC00;
	s12 =	simm.s32 $0xC400;
	s14 =	simm.s32 $0x1  }
0x7: {  	s15 =	simm.s32 $0x2;
	s16 =	simm.s32 $0x3;
	s17 =	simm.s32 $0x4  }
0x8: {  	[smem:$0x7FF] =	sst s3;
	s4 =	sand.u32 $0x1, s4;
	s6 =	sand.u32 $0x3, s9  }
0x9: {  	s18 =	sshll.u32 s9, $0x1;
	s19 =	sshrl.u32 s9, $0x2;
	_ =	strace $0x80000047  }
0xa: {  	s5 =	ssub.s32 $0x2, s4;
	s6 =	sshll.u32 s6, $0xB;
	s8 =	sshll.u32 s4, $0xA  }
0xb: {  	s10 =	smul.u32 $0x600000, s19;
	s7 =	sshrl.u32 s5, $0x1;
	s6 =	sor.u32 s8, s6  }
0xc: {  	s8 =	sshll.u32 s19, $0x4;
	s19 =	simm.s32 $0x0;
	s7 =	ssub.s32 s5, s7  }
0xd: {  	s5 =	sand.u32 $0x6, s18;
	s20 =	sor.u32 $0x40, s6;
	s22 =	sshrl.u32 s6, $0x3  }
0xe: {  	s0 =	sadd.s32 s0, s8;
	s6 =	sadd.s32 $0x200, s1;
	s4 =	sor.u32 s4, s5  }
0xf: {  	s21 =	sshrl.u32 s20, $0x3;
	s23 =	smul.u32 $0x1800, s22;
	s5 =	sadd.s32 $0x100, s1  }
0x10: {  	s7 =	smax.u32 s7, $0x1;
	s22 =	simm.s32 $0x4C00;
	s9 =	smul.u32 $0x1800, s21  }
0x11: {  	s4 =	sshll.u32 s4, $0x9;
	[dreg:$0x5] =	wrdreg s7;
	s21 =	simm.s32 $0x4400  }
0x12: {  	s7 =	simm.s32 $0xBC00;
	s0 =	sadd.s32 s4, s0;
	s25 =	sadd.s32 s23, s10  }
.Ltmp0:
0x13: {  	s23 =	simm.s32 $0x5400;
	s4 =	simm.s32 $0xB400;
	(pc) =	sbr.rel .LBB2_1-.Ltmp0, $4  }
0x14: {  	[dreg:$0x4] =	wrdreg s0;
	s24 =	sadd.s32 s9, s10;
	s26 =	sshrl.u32 s25, $0x3  }
0x15: {  	v2 =	vlaneseq.u32;
	s25 =	simm.s32 $0x6400;
	s10 =	simm.s32 $0xA400;
	s0 =	sshrl.u32 s24, $0x3  }
0x16: {  	vm0 =	vmmov $0xffff;
	v1 =	vshrl.u32 v2, $0x3;
	s9 =	sadd.s32 s26, s2;
	s24 =	simm.s32 $0x5C00;
	s26 =	simm.s32 $0x6C00  }
0x17: {  	v0 =	vand.u32 $0x7, v2;
	v2 =	vor.u32 $0x8, v2;
	v1 =	vmul.u32 $0x8, v1;
	s8 =	sadd.s32 s0, s2;
	s0 =	simm.s32 $0x9400;
	s2 =	simm.s32 $0x9C00  }
.LBB2_6:
0x18: {  	_ =	swait.ge [sflag:s17], $0xC000  }
0x19: {  	s19 =	rddreg [dreg:$0x6]  }
0x1a: {  	s18 =	rddreg [dreg:$0x5];
	s19 =	sadd.s32 $0x1, s19  }
0x1b: {  	p0 =	sne.s32 s19, s18  }
.Ltmp1:
0x1c: {  	_ = 	snop;
	(pc) =	sbr.rel @!p0 .LBB2_7-.Ltmp1, $3  }
0x1d: {  	_ =	sdelay $0x1  }
0x1e: {  	[sflag:s17] =	ssyncset.done $0x0  }
0x1f: {  	[sflag:s17] =	ssyncadd.s32 $0xFFFF4000  }
.LBB2_1:
0x20: {  	[dreg:$0x6] =	wrdreg s19  }
0x21: {  	s18 =	rddreg [dreg:$0x4];
	s19 =	simm.s32 $0x80;
	s20 =	simm.s32 $0x200  }
0x22: {  	[tilespmem:s3], [sflag:$0x5] =	stream.strided.gather [hbm4b:s18+s19], $0x400, s20, s19, $0x38;
	[tilespmem:$0x18400] =	vst v63  }
0x23: {  	s20 =	simm.s32 $0x5  }
0x24: {  	_ =	swait.ge [sflag:s20], $0x400  }
0x25: {  	[sflag:s20] =	ssyncset.done $0x0  }
0x26: {  	[sflag:s20] =	ssyncadd.s32 $0xFFFFFC00  }
0x27: {  	v3 =	vld [tilespmem:$0x0];
	_ =	sdelay $0x4  }
0x28: {  	v4 =	vshrl.u32 v3, $0x3  }
0x29: {  	v4 =	vmul.u32 $0x30, v4  }
0x2a: {  	v3 =	vand.u32 $0x7, v3  }
0x2b: {  	v3 =	vor.u32 v3, v4  }
0x2c: {  	v4 =	vperm.xlane v3, v0;
	_ =	sdelay $0x1  }
0x2d: {  	v4 =	vadd.s32 v1, v4;
	_ =	sdelay $0x3  }
0x2e: {  	v3 =	vperm.xlane v3, v2  }
0x2f: {  	[tilespmem:s13], [sflag:$0x1] =	stream.indirect_vreg.gather [hbm4b:s1+s3], $0x80, v4, vm0, $0xb8;
	[tilespmem:$0x18400] =	vst v63  }
0x30: {  	s19 =	simm.s32 $0xC00;
	v3 =	vadd.s32 v1, v3  }
0x31: {  	[tilespmem:s19], [sflag:$0x1] =	stream.indirect_vreg.gather [hbm4b:s5+s3], $0x80, v4, vm0, $0xb8;
	[tilespmem:$0x18400] =	vst v63  }
0x32: {  	s20 =	simm.s32 $0x1400  }
0x33: {  	[tilespmem:s20], [sflag:$0x1] =	stream.indirect_vreg.gather [hbm4b:s6+s3], $0x80, v4, vm0, $0xb8;
	[tilespmem:$0x18400] =	vst v63  }
0x34: {  	s19 =	simm.s32 $0x1C00  }
0x35: {  	[tilespmem:s19], [sflag:$0x1] =	stream.indirect_vreg.gather [hbm4b:s1+s3], $0x80, v3, vm0, $0xb8;
	[tilespmem:$0x18400] =	vst v63  }
0x36: {  	s20 =	simm.s32 $0x2400  }
0x37: {  	[tilespmem:s20], [sflag:$0x1] =	stream.indirect_vreg.gather [hbm4b:s5+s3], $0x80, v3, vm0, $0xb8;
	[tilespmem:$0x18400] =	vst v63  }
0x38: {  	s19 =	simm.s32 $0x2C00  }
0x39: {  	[tilespmem:s19], [sflag:$0x1] =	stream.indirect_vreg.gather [hbm4b:s6+s3], $0x80, v3, vm0, $0xb8;
	[tilespmem:$0x18400] =	vst v63  }
0x3a: {  	v3 =	vld [tilespmem:$0x10];
	_ =	sdelay $0x4  }
0x3b: {  	v57 =	vshrl.u32 v3, $0x3  }
0x3c: {  	v4 =	vmul.u32 $0x30, v57  }
0x3d: {  	v3 =	vand.u32 $0x7, v3  }
0x3e: {  	v3 =	vor.u32 v3, v4  }
0x3f: {  	v4 =	vperm.xlane v3, v0;
	_ =	sdelay $0x1  }
0x40: {  	v4 =	vadd.s32 v1, v4;
	_ =	sdelay $0x3  }
0x41: {  	s20 =	simm.s32 $0x3400;
	v3 =	vperm.xlane v3, v2  }
0x42: {  	[tilespmem:s20], [sflag:$0x1] =	stream.indirect_vreg.gather [hbm4b:s1+s3], $0x80, v4, vm0, $0xb8;
	[tilespmem:$0x18400] =	vst v63  }
0x43: {  	s19 =	simm.s32 $0x3C00;
	v3 =	vadd.s32 v1, v3  }
0x44: {  	[tilespmem:s19], [sflag:$0x1] =	stream.indirect_vreg.gather [hbm4b:s5+s3], $0x80, v4, vm0, $0xb8;
	[tilespmem:$0x18400] =	vst v63  }
0x45: {  	_ = 	snop  }
0x46: {  	[tilespmem:s21], [sflag:$0x1] =	stream.indirect_vreg.gather [hbm4b:s6+s3], $0x80, v4, vm0, $0xb8;
	[tilespmem:$0x18400] =	vst v63  }
0x47: {  	_ = 	snop  }
0x48: {  	[tilespmem:s22], [sflag:$0x1] =	stream.indirect_vreg.gather [hbm4b:s1+s3], $0x80, v3, vm0, $0xb8;
	[tilespmem:$0x18400] =	vst v63  }
0x49: {  	_ = 	snop  }
0x4a: {  	[tilespmem:s23], [sflag:$0x1] =	stream.indirect_vreg.gather [hbm4b:s5+s3], $0x80, v3, vm0, $0xb8;
	[tilespmem:$0x18400] =	vst v63  }
0x4b: {  	_ = 	snop  }
0x4c: {  	[tilespmem:s24], [sflag:$0x1] =	stream.indirect_vreg.gather [hbm4b:s6+s3], $0x80, v3, vm0, $0xb8;
	[tilespmem:$0x18400] =	vst v63  }
0x4d: {  	v3 =	vld [tilespmem:$0x20];
	_ =	sdelay $0x4  }
0x4e: {  	v58 =	vshrl.u32 v3, $0x3  }
0x4f: {  	v4 =	vmul.u32 $0x30, v58  }
0x50: {  	v3 =	vand.u32 $0x7, v3  }
0x51: {  	v3 =	vor.u32 v3, v4  }
0x52: {  	v4 =	vperm.xlane v3, v0;
	_ =	sdelay $0x1  }
0x53: {  	v4 =	vadd.s32 v1, v4;
	_ =	sdelay $0x3  }
0x54: {  	v3 =	vperm.xlane v3, v2  }
0x55: {  	[tilespmem:s25], [sflag:$0x1] =	stream.indirect_vreg.gather [hbm4b:s1+s3], $0x80, v4, vm0, $0xb8;
	[tilespmem:$0x18400] =	vst v63  }
0x56: {  	v3 =	vadd.s32 v1, v3  }
0x57: {  	[tilespmem:s26], [sflag:$0x1] =	stream.indirect_vreg.gather [hbm4b:s5+s3], $0x80, v4, vm0, $0xb8;
	[tilespmem:$0x18400] =	vst v63  }
0x58: {  	_ = 	snop  }
0x59: {  	[tilespmem:s28], [sflag:$0x1] =	stream.indirect_vreg.gather [hbm4b:s6+s3], $0x80, v4, vm0, $0xb8;
	[tilespmem:$0x18400] =	vst v63  }
0x5a: {  	_ = 	snop  }
0x5b: {  	[tilespmem:s29], [sflag:$0x1] =	stream.indirect_vreg.gather [hbm4b:s1+s3], $0x80, v3, vm0, $0xb8;
	[tilespmem:$0x18400] =	vst v63  }
0x5c: {  	_ = 	snop  }
0x5d: {  	[tilespmem:s30], [sflag:$0x1] =	stream.indirect_vreg.gather [hbm4b:s5+s3], $0x80, v3, vm0, $0xb8;
	[tilespmem:$0x18400] =	vst v63  }
0x5e: {  	_ = 	snop  }
0x5f: {  	[tilespmem:s31], [sflag:$0x1] =	stream.indirect_vreg.gather [hbm4b:s6+s3], $0x80, v3, vm0, $0xb8;
	[tilespmem:$0x18400] =	vst v63  }
0x60: {  	v3 =	vld [tilespmem:$0x30];
	_ =	sdelay $0x4  }
0x61: {  	v59 =	vshrl.u32 v3, $0x3  }
0x62: {  	v4 =	vmul.u32 $0x30, v59  }
0x63: {  	v3 =	vand.u32 $0x7, v3  }
0x64: {  	v3 =	vor.u32 v3, v4  }
0x65: {  	v4 =	vperm.xlane v3, v0;
	_ =	sdelay $0x1  }
0x66: {  	v4 =	vadd.s32 v1, v4;
	_ =	sdelay $0x3  }
0x67: {  	v3 =	vperm.xlane v3, v2  }
0x68: {  	[tilespmem:s0], [sflag:$0x1] =	stream.indirect_vreg.gather [hbm4b:s1+s3], $0x80, v4, vm0, $0xb8;
	[tilespmem:$0x18400] =	vst v63  }
0x69: {  	v3 =	vadd.s32 v1, v3  }
0x6a: {  	[tilespmem:s2], [sflag:$0x1] =	stream.indirect_vreg.gather [hbm4b:s5+s3], $0x80, v4, vm0, $0xb8;
	[tilespmem:$0x18400] =	vst v63  }
0x6b: {  	_ = 	snop  }
0x6c: {  	[tilespmem:s10], [sflag:$0x1] =	stream.indirect_vreg.gather [hbm4b:s6+s3], $0x80, v4, vm0, $0xb8;
	[tilespmem:$0x18400] =	vst v63  }
0x6d: {  	_ = 	snop  }
0x6e: {  	[tilespmem:s11], [sflag:$0x1] =	stream.indirect_vreg.gather [hbm4b:s1+s3], $0x80, v3, vm0, $0xb8;
	[tilespmem:$0x18400] =	vst v63  }
0x6f: {  	_ = 	snop  }
0x70: {  	[tilespmem:s4], [sflag:$0x1] =	stream.indirect_vreg.gather [hbm4b:s5+s3], $0x80, v3, vm0, $0xb8;
	[tilespmem:$0x18400] =	vst v63  }
0x71: {  	_ = 	snop  }
0x72: {  	[tilespmem:s7], [sflag:$0x1] =	stream.indirect_vreg.gather [hbm4b:s6+s3], $0x80, v3, vm0, $0xb8;
	[tilespmem:$0x18400] =	vst v63  }
0x73: {  	v3 =	vld [tilespmem:$0x40];
	_ =	sdelay $0x4  }
0x74: {  	v60 =	vshrl.u32 v3, $0x3  }
0x75: {  	v4 =	vmul.u32 $0x30, v60  }
0x76: {  	v3 =	vand.u32 $0x7, v3  }
0x77: {  	v3 =	vor.u32 v3, v4  }
0x78: {  	v4 =	vperm.xlane v3, v0;
	_ =	sdelay $0x1  }
0x79: {  	v4 =	vadd.s32 v1, v4;
	_ =	sdelay $0x3  }
0x7a: {  	v3 =	vperm.xlane v3, v2  }
0x7b: {  	[tilespmem:s12], [sflag:$0x2] =	stream.indirect_vreg.gather [hbm4b:s1+s3], $0x80, v4, vm0, $0xb8;
	[tilespmem:$0x18400] =	vst v63  }
0x7c: {  	s20 =	simm.s32 $0xCC00;
	v3 =	vadd.s32 v1, v3  }
0x7d: {  	[tilespmem:s20], [sflag:$0x2] =	stream.indirect_vreg.gather [hbm4b:s5+s3], $0x80, v4, vm0, $0xb8;
	[tilespmem:$0x18400] =	vst v63  }
0x7e: {  	s19 =	simm.s32 $0xD400  }
0x7f: {  	[tilespmem:s19], [sflag:$0x2] =	stream.indirect_vreg.gather [hbm4b:s6+s3], $0x80, v4, vm0, $0xb8;
	[tilespmem:$0x18400] =	vst v63  }
0x80: {  	s20 =	simm.s32 $0xDC00  }
0x81: {  	[tilespmem:s20], [sflag:$0x2] =	stream.indirect_vreg.gather [hbm4b:s1+s3], $0x80, v3, vm0, $0xb8;
	[tilespmem:$0x18400] =	vst v63  }
0x82: {  	s19 =	simm.s32 $0xE400  }
0x83: {  	[tilespmem:s19], [sflag:$0x2] =	stream.indirect_vreg.gather [hbm4b:s5+s3], $0x80, v3, vm0, $0xb8;
	[tilespmem:$0x18400] =	vst v63  }
0x84: {  	s20 =	simm.s32 $0xEC00  }
0x85: {  	[tilespmem:s20], [sflag:$0x2] =	stream.indirect_vreg.gather [hbm4b:s6+s3], $0x80, v3, vm0, $0xb8;
	[tilespmem:$0x18400] =	vst v63  }
0x86: {  	v3 =	vld [tilespmem:$0x50];
	_ =	sdelay $0x4  }
0x87: {  	v61 =	vshrl.u32 v3, $0x3  }
0x88: {  	v4 =	vmul.u32 $0x30, v61  }
0x89: {  	v3 =	vand.u32 $0x7, v3  }
0x8a: {  	v3 =	vor.u32 v3, v4  }
0x8b: {  	v4 =	vperm.xlane v3, v0;
	_ =	sdelay $0x1  }
0x8c: {  	v4 =	vadd.s32 v1, v4;
	_ =	sdelay $0x3  }
0x8d: {  	s19 =	simm.s32 $0xF400;
	v3 =	vperm.xlane v3, v2  }
0x8e: {  	[tilespmem:s19], [sflag:$0x2] =	stream.indirect_vreg.gather [hbm4b:s1+s3], $0x80, v4, vm0, $0xb8;
	[tilespmem:$0x18400] =	vst v63  }
0x8f: {  	s20 =	simm.s32 $0xFC00;
	v3 =	vadd.s32 v1, v3  }
0x90: {  	[tilespmem:s20], [sflag:$0x2] =	stream.indirect_vreg.gather [hbm4b:s5+s3], $0x80, v4, vm0, $0xb8;
	[tilespmem:$0x18400] =	vst v63  }
0x91: {  	s19 =	simm.s32 $0x10400  }
0x92: {  	[tilespmem:s19], [sflag:$0x2] =	stream.indirect_vreg.gather [hbm4b:s6+s3], $0x80, v4, vm0, $0xb8;
	[tilespmem:$0x18400] =	vst v63  }
0x93: {  	s20 =	simm.s32 $0x10C00  }
0x94: {  	[tilespmem:s20], [sflag:$0x2] =	stream.indirect_vreg.gather [hbm4b:s1+s3], $0x80, v3, vm0, $0xb8;
	[tilespmem:$0x18400] =	vst v63  }
0x95: {  	s19 =	simm.s32 $0x11400  }
0x96: {  	[tilespmem:s19], [sflag:$0x2] =	stream.indirect_vreg.gather [hbm4b:s5+s3], $0x80, v3, vm0, $0xb8;
	[tilespmem:$0x18400] =	vst v63  }
0x97: {  	s20 =	simm.s32 $0x11C00  }
0x98: {  	[tilespmem:s20], [sflag:$0x2] =	stream.indirect_vreg.gather [hbm4b:s6+s3], $0x80, v3, vm0, $0xb8;
	[tilespmem:$0x18400] =	vst v63  }
0x99: {  	v3 =	vld [tilespmem:$0x60];
	_ =	sdelay $0x4  }
0x9a: {  	v62 =	vshrl.u32 v3, $0x3  }
0x9b: {  	v4 =	vmul.u32 $0x30, v62  }
0x9c: {  	v3 =	vand.u32 $0x7, v3  }
0x9d: {  	v3 =	vor.u32 v3, v4  }
0x9e: {  	v4 =	vperm.xlane v3, v0;
	_ =	sdelay $0x1  }
0x9f: {  	v4 =	vadd.s32 v1, v4;
	_ =	sdelay $0x3  }
0xa0: {  	s19 =	simm.s32 $0x12400;
	v3 =	vperm.xlane v3, v2  }
0xa1: {  	[tilespmem:s19], [sflag:$0x2] =	stream.indirect_vreg.gather [hbm4b:s1+s3], $0x80, v4, vm0, $0xb8;
	[tilespmem:$0x18400] =	vst v63  }
0xa2: {  	s20 =	simm.s32 $0x12C00;
	v3 =	vadd.s32 v1, v3  }
0xa3: {  	[tilespmem:s20], [sflag:$0x2] =	stream.indirect_vreg.gather [hbm4b:s5+s3], $0x80, v4, vm0, $0xb8;
	[tilespmem:$0x18400] =	vst v63  }
0xa4: {  	s19 =	simm.s32 $0x13400  }
0xa5: {  	[tilespmem:s19], [sflag:$0x2] =	stream.indirect_vreg.gather [hbm4b:s6+s3], $0x80, v4, vm0, $0xb8;
	[tilespmem:$0x18400] =	vst v63  }
0xa6: {  	s20 =	simm.s32 $0x13C00  }
0xa7: {  	[tilespmem:s20], [sflag:$0x2] =	stream.indirect_vreg.gather [hbm4b:s1+s3], $0x80, v3, vm0, $0xb8;
	[tilespmem:$0x18400] =	vst v63  }
0xa8: {  	s19 =	simm.s32 $0x14400  }
0xa9: {  	[tilespmem:s19], [sflag:$0x2] =	stream.indirect_vreg.gather [hbm4b:s5+s3], $0x80, v3, vm0, $0xb8;
	[tilespmem:$0x18400] =	vst v63  }
0xaa: {  	s20 =	simm.s32 $0x14C00  }
0xab: {  	[tilespmem:s20], [sflag:$0x2] =	stream.indirect_vreg.gather [hbm4b:s6+s3], $0x80, v3, vm0, $0xb8;
	[tilespmem:$0x18400] =	vst v63  }
0xac: {  	v3 =	vld [tilespmem:$0x70];
	_ =	sdelay $0x4  }
0xad: {  	v63 =	vshrl.u32 v3, $0x3  }
0xae: {  	v4 =	vmul.u32 $0x30, v63  }
0xaf: {  	v3 =	vand.u32 $0x7, v3  }
0xb0: {  	v3 =	vor.u32 v3, v4  }
0xb1: {  	v4 =	vperm.xlane v3, v0;
	_ =	sdelay $0x1  }
0xb2: {  	v4 =	vadd.s32 v1, v4;
	_ =	sdelay $0x3  }
0xb3: {  	s19 =	simm.s32 $0x15400;
	v3 =	vperm.xlane v3, v2  }
0xb4: {  	[tilespmem:s19], [sflag:$0x2] =	stream.indirect_vreg.gather [hbm4b:s1+s3], $0x80, v4, vm0, $0xb8;
	[tilespmem:$0x18400] =	vst v63  }
0xb5: {  	s20 =	simm.s32 $0x15C00;
	v3 =	vadd.s32 v1, v3  }
0xb6: {  	[tilespmem:s20], [sflag:$0x2] =	stream.indirect_vreg.gather [hbm4b:s5+s3], $0x80, v4, vm0, $0xb8;
	[tilespmem:$0x18400] =	vst v63  }
0xb7: {  	s19 =	simm.s32 $0x16400  }
0xb8: {  	[tilespmem:s19], [sflag:$0x2] =	stream.indirect_vreg.gather [hbm4b:s6+s3], $0x80, v4, vm0, $0xb8;
	[tilespmem:$0x18400] =	vst v63  }
0xb9: {  	s20 =	simm.s32 $0x16C00  }
0xba: {  	[tilespmem:s20], [sflag:$0x2] =	stream.indirect_vreg.gather [hbm4b:s1+s3], $0x80, v3, vm0, $0xb8;
	[tilespmem:$0x18400] =	vst v63  }
0xbb: {  	s19 =	simm.s32 $0x17400  }
0xbc: {  	[tilespmem:s19], [sflag:$0x2] =	stream.indirect_vreg.gather [hbm4b:s5+s3], $0x80, v3, vm0, $0xb8;
	[tilespmem:$0x18400] =	vst v63  }
0xbd: {  	s18 =	simm.s32 $0x60;
	s20 =	simm.s32 $0x17C00;
	s19 =	simm.s32 $0x0  }
0xbe: {  	[tilespmem:s20], [sflag:$0x2] =	stream.indirect_vreg.gather [hbm4b:s6+s3], $0x80, v3, vm0, $0xb8;
	[tilespmem:$0x18400] =	vst v63  }
.LBB2_2:
0xbf: {  	p0 =	seq.s32 s19, $0x0  }
.Ltmp2:
0xc0: {  	_ = 	snop;
	(pc) =	sbr.rel @p0 .LBB2_4-.Ltmp2, $4  }
0xc1: {  	_ =	swait.ge [sflag:s14], $0xC000  }
0xc2: {  	[sflag:s14] =	ssyncset.done $0x0  }
0xc3: {  	s20 =	sadd.s32 s19, s9;
	[sflag:s14] =	ssyncadd.s32 $0xFFFF4000  }
0xc4: {  	[hbm4b:s20+s3] =	stream.linear.scatter [tilespmem:s13], [sflag:$0x3], $0xC000, $0x38;
	[tilespmem:$0x18400] =	vst v63  }
0xc5: {  	_ =	swait.ge [sflag:s17], $0xC000  }
0xc6: {  	[sflag:s17] =	ssyncset.done $0x0  }
0xc7: {  	[sflag:s17] =	ssyncadd.s32 $0xFFFF4000  }
0xc8: {  	v3 =	vld [tilespmem:s18+$0xFFFFFFE0];
	_ =	sdelay $0x4  }
0xc9: {  	v4 =	vshrl.u32 v3, $0x3  }
0xca: {  	v4 =	vmul.u32 $0x30, v4  }
0xcb: {  	v3 =	vand.u32 $0x7, v3  }
0xcc: {  	v3 =	vor.u32 v3, v4  }
0xcd: {  	v4 =	vperm.xlane v3, v0;
	_ =	sdelay $0x1  }
0xce: {  	v4 =	vadd.s32 v1, v4;
	_ =	sdelay $0x3  }
0xcf: {  	v3 =	vperm.xlane v3, v2  }
0xd0: {  	[tilespmem:s12], [sflag:$0x2] =	stream.indirect_vreg.gather [hbm4b:s1+s3], $0x80, v4, vm0, $0xb8;
	[tilespmem:$0x18400] =	vst v63  }
0xd1: {  	s20 =	simm.s32 $0xCC00;
	v3 =	vadd.s32 v1, v3  }
0xd2: {  	[tilespmem:s20], [sflag:$0x2] =	stream.indirect_vreg.gather [hbm4b:s5+s3], $0x80, v4, vm0, $0xb8;
	[tilespmem:$0x18400] =	vst v63  }
0xd3: {  	s20 =	simm.s32 $0xD400  }
0xd4: {  	[tilespmem:s20], [sflag:$0x2] =	stream.indirect_vreg.gather [hbm4b:s6+s3], $0x80, v4, vm0, $0xb8;
	[tilespmem:$0x18400] =	vst v63  }
0xd5: {  	s20 =	simm.s32 $0xDC00  }
0xd6: {  	[tilespmem:s20], [sflag:$0x2] =	stream.indirect_vreg.gather [hbm4b:s1+s3], $0x80, v3, vm0, $0xb8;
	[tilespmem:$0x18400] =	vst v63  }
0xd7: {  	s20 =	simm.s32 $0xE400  }
0xd8: {  	[tilespmem:s20], [sflag:$0x2] =	stream.indirect_vreg.gather [hbm4b:s5+s3], $0x80, v3, vm0, $0xb8;
	[tilespmem:$0x18400] =	vst v63  }
0xd9: {  	s20 =	simm.s32 $0xEC00  }
0xda: {  	[tilespmem:s20], [sflag:$0x2] =	stream.indirect_vreg.gather [hbm4b:s6+s3], $0x80, v3, vm0, $0xb8;
	[tilespmem:$0x18400] =	vst v63  }
0xdb: {  	v3 =	vld [tilespmem:s18+$0xFFFFFFF0];
	_ =	sdelay $0x4  }
0xdc: {  	v61 =	vshrl.u32 v3, $0x3  }
0xdd: {  	v4 =	vmul.u32 $0x30, v61  }
0xde: {  	v3 =	vand.u32 $0x7, v3  }
0xdf: {  	v3 =	vor.u32 v3, v4  }
0xe0: {  	v4 =	vperm.xlane v3, v0;
	_ =	sdelay $0x1  }
0xe1: {  	v4 =	vadd.s32 v1, v4;
	_ =	sdelay $0x3  }
0xe2: {  	s20 =	simm.s32 $0xF400;
	v3 =	vperm.xlane v3, v2  }
0xe3: {  	[tilespmem:s20], [sflag:$0x2] =	stream.indirect_vreg.gather [hbm4b:s1+s3], $0x80, v4, vm0, $0xb8;
	[tilespmem:$0x18400] =	vst v63  }
0xe4: {  	v3 =	vadd.s32 v1, v3;
	s20 =	simm.s32 $0xFC00  }
0xe5: {  	[tilespmem:s20], [sflag:$0x2] =	stream.indirect_vreg.gather [hbm4b:s5+s3], $0x80, v4, vm0, $0xb8;
	[tilespmem:$0x18400] =	vst v63  }
0xe6: {  	s20 =	simm.s32 $0x10400  }
0xe7: {  	[tilespmem:s20], [sflag:$0x2] =	stream.indirect_vreg.gather [hbm4b:s6+s3], $0x80, v4, vm0, $0xb8;
	[tilespmem:$0x18400] =	vst v63  }
0xe8: {  	s20 =	simm.s32 $0x10C00  }
0xe9: {  	[tilespmem:s20], [sflag:$0x2] =	stream.indirect_vreg.gather [hbm4b:s1+s3], $0x80, v3, vm0, $0xb8;
	[tilespmem:$0x18400] =	vst v63  }
0xea: {  	s20 =	simm.s32 $0x11400  }
0xeb: {  	[tilespmem:s20], [sflag:$0x2] =	stream.indirect_vreg.gather [hbm4b:s5+s3], $0x80, v3, vm0, $0xb8;
	[tilespmem:$0x18400] =	vst v63  }
0xec: {  	s20 =	simm.s32 $0x11C00  }
0xed: {  	[tilespmem:s20], [sflag:$0x2] =	stream.indirect_vreg.gather [hbm4b:s6+s3], $0x80, v3, vm0, $0xb8;
	[tilespmem:$0x18400] =	vst v63  }
0xee: {  	v3 =	vld [tilespmem:s18+$0x0];
	_ =	sdelay $0x4  }
0xef: {  	v62 =	vshrl.u32 v3, $0x3  }
0xf0: {  	v4 =	vmul.u32 $0x30, v62  }
0xf1: {  	v3 =	vand.u32 $0x7, v3  }
0xf2: {  	v3 =	vor.u32 v3, v4  }
0xf3: {  	v4 =	vperm.xlane v3, v0;
	_ =	sdelay $0x1  }
0xf4: {  	v4 =	vadd.s32 v1, v4;
	_ =	sdelay $0x3  }
0xf5: {  	s20 =	simm.s32 $0x12400;
	v3 =	vperm.xlane v3, v2  }
0xf6: {  	[tilespmem:s20], [sflag:$0x2] =	stream.indirect_vreg.gather [hbm4b:s1+s3], $0x80, v4, vm0, $0xb8;
	[tilespmem:$0x18400] =	vst v63  }
0xf7: {  	v3 =	vadd.s32 v1, v3;
	s20 =	simm.s32 $0x12C00  }
0xf8: {  	[tilespmem:s20], [sflag:$0x2] =	stream.indirect_vreg.gather [hbm4b:s5+s3], $0x80, v4, vm0, $0xb8;
	[tilespmem:$0x18400] =	vst v63  }
0xf9: {  	s20 =	simm.s32 $0x13400  }
0xfa: {  	[tilespmem:s20], [sflag:$0x2] =	stream.indirect_vreg.gather [hbm4b:s6+s3], $0x80, v4, vm0, $0xb8;
	[tilespmem:$0x18400] =	vst v63  }
0xfb: {  	s20 =	simm.s32 $0x13C00  }
0xfc: {  	[tilespmem:s20], [sflag:$0x2] =	stream.indirect_vreg.gather [hbm4b:s1+s3], $0x80, v3, vm0, $0xb8;
	[tilespmem:$0x18400] =	vst v63  }
0xfd: {  	s20 =	simm.s32 $0x14400  }
0xfe: {  	[tilespmem:s20], [sflag:$0x2] =	stream.indirect_vreg.gather [hbm4b:s5+s3], $0x80, v3, vm0, $0xb8;
	[tilespmem:$0x18400] =	vst v63  }
0xff: {  	s20 =	simm.s32 $0x14C00  }
0x100: {  	[tilespmem:s20], [sflag:$0x2] =	stream.indirect_vreg.gather [hbm4b:s6+s3], $0x80, v3, vm0, $0xb8;
	[tilespmem:$0x18400] =	vst v63  }
0x101: {  	v3 =	vld [tilespmem:s18+$0x10];
	_ =	sdelay $0x4  }
0x102: {  	v63 =	vshrl.u32 v3, $0x3  }
0x103: {  	v4 =	vmul.u32 $0x30, v63  }
0x104: {  	v3 =	vand.u32 $0x7, v3  }
0x105: {  	v3 =	vor.u32 v3, v4  }
0x106: {  	v4 =	vperm.xlane v3, v0;
	_ =	sdelay $0x1  }
0x107: {  	v4 =	vadd.s32 v1, v4;
	_ =	sdelay $0x3  }
0x108: {  	s20 =	simm.s32 $0x15400;
	v3 =	vperm.xlane v3, v2  }
0x109: {  	[tilespmem:s20], [sflag:$0x2] =	stream.indirect_vreg.gather [hbm4b:s1+s3], $0x80, v4, vm0, $0xb8;
	[tilespmem:$0x18400] =	vst v63  }
0x10a: {  	v3 =	vadd.s32 v1, v3;
	s20 =	simm.s32 $0x15C00  }
0x10b: {  	[tilespmem:s20], [sflag:$0x2] =	stream.indirect_vreg.gather [hbm4b:s5+s3], $0x80, v4, vm0, $0xb8;
	[tilespmem:$0x18400] =	vst v63  }
0x10c: {  	s20 =	simm.s32 $0x16400  }
0x10d: {  	[tilespmem:s20], [sflag:$0x2] =	stream.indirect_vreg.gather [hbm4b:s6+s3], $0x80, v4, vm0, $0xb8;
	[tilespmem:$0x18400] =	vst v63  }
0x10e: {  	s20 =	simm.s32 $0x16C00  }
0x10f: {  	[tilespmem:s20], [sflag:$0x2] =	stream.indirect_vreg.gather [hbm4b:s1+s3], $0x80, v3, vm0, $0xb8;
	[tilespmem:$0x18400] =	vst v63  }
0x110: {  	s20 =	simm.s32 $0x17400  }
0x111: {  	[tilespmem:s20], [sflag:$0x2] =	stream.indirect_vreg.gather [hbm4b:s5+s3], $0x80, v3, vm0, $0xb8;
	[tilespmem:$0x18400] =	vst v63  }
0x112: {  	s20 =	simm.s32 $0x17C00  }
0x113: {  	[tilespmem:s20], [sflag:$0x2] =	stream.indirect_vreg.gather [hbm4b:s6+s3], $0x80, v3, vm0, $0xb8;
	[tilespmem:$0x18400] =	vst v63  }
.LBB2_4:
0x114: {  	_ =	swait.ge [sflag:s15], $0xC000  }
0x115: {  	p0 =	seq.s32 s19, $0x15000;
	[sflag:s15] =	ssyncset.done $0x0  }
.Ltmp3:
0x116: {  	s20 =	sadd.s32 s19, s8;
	[sflag:s15] =	ssyncadd.s32 $0xFFFF4000;
	(pc) =	sbr.rel @p0 .LBB2_6-.Ltmp3, $4  }
0x117: {  	[hbm4b:s20+s3] =	stream.linear.scatter [tilespmem:s12], [sflag:$0x4], $0xC000, $0x38;
	[tilespmem:$0x18400] =	vst v63  }
0x118: {  	_ =	swait.ge [sflag:s16], $0xC000  }
0x119: {  	[sflag:s16] =	ssyncset.done $0x0  }
0x11a: {  	[sflag:s16] =	ssyncadd.s32 $0xFFFF4000  }
0x11b: {  	v3 =	vld [tilespmem:s18+$0x20];
	_ =	sdelay $0x4  }
0x11c: {  	v4 =	vshrl.u32 v3, $0x3  }
0x11d: {  	v4 =	vmul.u32 $0x30, v4  }
0x11e: {  	v3 =	vand.u32 $0x7, v3  }
0x11f: {  	v3 =	vor.u32 v3, v4  }
0x120: {  	v4 =	vperm.xlane v3, v0;
	_ =	sdelay $0x1  }
0x121: {  	v4 =	vadd.s32 v1, v4;
	_ =	sdelay $0x3  }
0x122: {  	v3 =	vperm.xlane v3, v2  }
0x123: {  	[tilespmem:s13], [sflag:$0x1] =	stream.indirect_vreg.gather [hbm4b:s1+s3], $0x80, v4, vm0, $0xb8;
	[tilespmem:$0x18400] =	vst v63  }
0x124: {  	s20 =	simm.s32 $0xC00;
	v3 =	vadd.s32 v1, v3  }
0x125: {  	[tilespmem:s20], [sflag:$0x1] =	stream.indirect_vreg.gather [hbm4b:s5+s3], $0x80, v4, vm0, $0xb8;
	[tilespmem:$0x18400] =	vst v63  }
0x126: {  	s20 =	simm.s32 $0x1400  }
0x127: {  	[tilespmem:s20], [sflag:$0x1] =	stream.indirect_vreg.gather [hbm4b:s6+s3], $0x80, v4, vm0, $0xb8;
	[tilespmem:$0x18400] =	vst v63  }
0x128: {  	s20 =	simm.s32 $0x1C00  }
0x129: {  	[tilespmem:s20], [sflag:$0x1] =	stream.indirect_vreg.gather [hbm4b:s1+s3], $0x80, v3, vm0, $0xb8;
	[tilespmem:$0x18400] =	vst v63  }
0x12a: {  	s20 =	simm.s32 $0x2400  }
0x12b: {  	[tilespmem:s20], [sflag:$0x1] =	stream.indirect_vreg.gather [hbm4b:s5+s3], $0x80, v3, vm0, $0xb8;
	[tilespmem:$0x18400] =	vst v63  }
0x12c: {  	s20 =	simm.s32 $0x2C00  }
0x12d: {  	[tilespmem:s20], [sflag:$0x1] =	stream.indirect_vreg.gather [hbm4b:s6+s3], $0x80, v3, vm0, $0xb8;
	[tilespmem:$0x18400] =	vst v63  }
0x12e: {  	v3 =	vld [tilespmem:s18+$0x30];
	_ =	sdelay $0x4  }
0x12f: {  	v61 =	vshrl.u32 v3, $0x3  }
0x130: {  	v4 =	vmul.u32 $0x30, v61  }
0x131: {  	v3 =	vand.u32 $0x7, v3  }
0x132: {  	v3 =	vor.u32 v3, v4  }
0x133: {  	v4 =	vperm.xlane v3, v0;
	_ =	sdelay $0x1  }
0x134: {  	v4 =	vadd.s32 v1, v4;
	_ =	sdelay $0x3  }
0x135: {  	s20 =	simm.s32 $0x3400;
	v3 =	vperm.xlane v3, v2  }
0x136: {  	[tilespmem:s20], [sflag:$0x1] =	stream.indirect_vreg.gather [hbm4b:s1+s3], $0x80, v4, vm0, $0xb8;
	[tilespmem:$0x18400] =	vst v63  }
0x137: {  	v3 =	vadd.s32 v1, v3;
	s20 =	simm.s32 $0x3C00  }
0x138: {  	[tilespmem:s20], [sflag:$0x1] =	stream.indirect_vreg.gather [hbm4b:s5+s3], $0x80, v4, vm0, $0xb8;
	[tilespmem:$0x18400] =	vst v63  }
0x139: {  	_ = 	snop  }
0x13a: {  	[tilespmem:s21], [sflag:$0x1] =	stream.indirect_vreg.gather [hbm4b:s6+s3], $0x80, v4, vm0, $0xb8;
	[tilespmem:$0x18400] =	vst v63  }
0x13b: {  	_ = 	snop  }
0x13c: {  	[tilespmem:s22], [sflag:$0x1] =	stream.indirect_vreg.gather [hbm4b:s1+s3], $0x80, v3, vm0, $0xb8;
	[tilespmem:$0x18400] =	vst v63  }
0x13d: {  	_ = 	snop  }
0x13e: {  	[tilespmem:s23], [sflag:$0x1] =	stream.indirect_vreg.gather [hbm4b:s5+s3], $0x80, v3, vm0, $0xb8;
	[tilespmem:$0x18400] =	vst v63  }
0x13f: {  	_ = 	snop  }
0x140: {  	[tilespmem:s24], [sflag:$0x1] =	stream.indirect_vreg.gather [hbm4b:s6+s3], $0x80, v3, vm0, $0xb8;
	[tilespmem:$0x18400] =	vst v63  }
0x141: {  	v3 =	vld [tilespmem:s18+$0x40];
	_ =	sdelay $0x4  }
0x142: {  	v62 =	vshrl.u32 v3, $0x3  }
0x143: {  	v4 =	vmul.u32 $0x30, v62  }
0x144: {  	v3 =	vand.u32 $0x7, v3  }
0x145: {  	v3 =	vor.u32 v3, v4  }
0x146: {  	v4 =	vperm.xlane v3, v0;
	_ =	sdelay $0x1  }
0x147: {  	v4 =	vadd.s32 v1, v4;
	_ =	sdelay $0x3  }
0x148: {  	v3 =	vperm.xlane v3, v2  }
0x149: {  	[tilespmem:s25], [sflag:$0x1] =	stream.indirect_vreg.gather [hbm4b:s1+s3], $0x80, v4, vm0, $0xb8;
	[tilespmem:$0x18400] =	vst v63  }
0x14a: {  	v3 =	vadd.s32 v1, v3  }
0x14b: {  	[tilespmem:s26], [sflag:$0x1] =	stream.indirect_vreg.gather [hbm4b:s5+s3], $0x80, v4, vm0, $0xb8;
	[tilespmem:$0x18400] =	vst v63  }
0x14c: {  	_ = 	snop  }
0x14d: {  	[tilespmem:s28], [sflag:$0x1] =	stream.indirect_vreg.gather [hbm4b:s6+s3], $0x80, v4, vm0, $0xb8;
	[tilespmem:$0x18400] =	vst v63  }
0x14e: {  	_ = 	snop  }
0x14f: {  	[tilespmem:s29], [sflag:$0x1] =	stream.indirect_vreg.gather [hbm4b:s1+s3], $0x80, v3, vm0, $0xb8;
	[tilespmem:$0x18400] =	vst v63  }
0x150: {  	_ = 	snop  }
0x151: {  	[tilespmem:s30], [sflag:$0x1] =	stream.indirect_vreg.gather [hbm4b:s5+s3], $0x80, v3, vm0, $0xb8;
	[tilespmem:$0x18400] =	vst v63  }
0x152: {  	_ = 	snop  }
0x153: {  	[tilespmem:s31], [sflag:$0x1] =	stream.indirect_vreg.gather [hbm4b:s6+s3], $0x80, v3, vm0, $0xb8;
	[tilespmem:$0x18400] =	vst v63  }
0x154: {  	v3 =	vld [tilespmem:s18+$0x50];
	_ =	sdelay $0x4  }
0x155: {  	v63 =	vshrl.u32 v3, $0x3  }
0x156: {  	v4 =	vmul.u32 $0x30, v63  }
0x157: {  	v3 =	vand.u32 $0x7, v3  }
0x158: {  	v3 =	vor.u32 v3, v4  }
0x159: {  	v4 =	vperm.xlane v3, v0;
	_ =	sdelay $0x1  }
0x15a: {  	v4 =	vadd.s32 v1, v4;
	_ =	sdelay $0x3  }
0x15b: {  	v3 =	vperm.xlane v3, v2  }
0x15c: {  	[tilespmem:s0], [sflag:$0x1] =	stream.indirect_vreg.gather [hbm4b:s1+s3], $0x80, v4, vm0, $0xb8;
	[tilespmem:$0x18400] =	vst v63  }
0x15d: {  	v3 =	vadd.s32 v1, v3  }
0x15e: {  	[tilespmem:s2], [sflag:$0x1] =	stream.indirect_vreg.gather [hbm4b:s5+s3], $0x80, v4, vm0, $0xb8;
	[tilespmem:$0x18400] =	vst v63  }
0x15f: {  	_ = 	snop  }
0x160: {  	[tilespmem:s10], [sflag:$0x1] =	stream.indirect_vreg.gather [hbm4b:s6+s3], $0x80, v4, vm0, $0xb8;
	[tilespmem:$0x18400] =	vst v63  }
0x161: {  	_ = 	snop  }
0x162: {  	[tilespmem:s11], [sflag:$0x1] =	stream.indirect_vreg.gather [hbm4b:s1+s3], $0x80, v3, vm0, $0xb8;
	[tilespmem:$0x18400] =	vst v63  }
.Ltmp4:
0x163: {  	_ = 	snop;
	(pc) =	sbr.rel .LBB2_2-.Ltmp4, $4  }
0x164: {  	_ = 	snop  }
0x165: {  	[tilespmem:s4], [sflag:$0x1] =	stream.indirect_vreg.gather [hbm4b:s5+s3], $0x80, v3, vm0, $0xb8;
	[tilespmem:$0x18400] =	vst v63  }
0x166: {  	s19 =	sadd.s32 $0x3000, s19;
	s18 =	sadd.s32 $0x80, s18  }
0x167: {  	[tilespmem:s7], [sflag:$0x1] =	stream.indirect_vreg.gather [hbm4b:s6+s3], $0x80, v3, vm0, $0xb8;
	[tilespmem:$0x18400] =	vst v63  }
.LBB2_7:
0x168: {  	_ =	sfence.sel $0x180000  }
0x169: {  	[bflag:$0x0] =	sbarrier.arrive $0xFFFF  }
0x16a: {  	_ =	strace $0x90000047  }
0x16b: {  	s0 =	stileid.u32;
	[bflag:$0x2] =	sbarrier.arrive $0xFFFF  }
0x16c: {  	p0 =	sne.s32 s0, $0x0;
	s0 =	rddreg [dreg:$0x3]  }
0x16d: {  	s0 =	sadd.s32 @!p0 $0x100000, s0  }
0x16e: {  	[sflag:s0] =	ssyncadd.tile.s32 @!p0 $0x1;
	_ =	shalt  }
.Lfunc_end2:
_tile_overlayer_lowered:
.L_overlay_start_2:
0x16f: {  	(tag) =	ssettag $0x2  }
0x170: {  	s0 =	rddreg [dreg:$0x0];
	s2 =	stileid.u32  }
0x171: {  	s1 =	rddreg [dreg:$0x1];
	p0 =	sne.s32 s2, $0x0  }
0x172: {  	s3 =	rddreg [dreg:$0x2];
	[bflag:$0x3] =	sbarrier.arrive $0xFFFF;
	s2 =	simm.s32 @!p0 $0x1C05  }
0x173: {  	[timem:s3], [sflag:s2] =	dma.local @!p0 [hbm:s0], s1  }
0x174: {  	s0 =	simm.s32 @!p0 $0x5  }
0x175: {  	_ =	swait.ge @!p0 [sflag:s0], s1  }
0x176: {  	s1 =	ssub.s32 @!p0 $0x0, s1;
	[sflag:s0] =	ssyncset.done @!p0 $0x0  }
0x177: {  	[sflag:s0] =	ssyncadd.s32 @!p0 s1  }
0x178: {  	[bflag:$0x3] =	sbarrier.arrive $0xFFFF  }
0x179: {  	_ =	shalt  }

</sc_bundles>
